<compile_context>
chip_gen: v7x
topology: tpu7x:2x2x1
jax: 0.10.2.dev20260603
libtpu: 0.0.44.dev20260713+nightly
codegen_flags: <defaults>
</compile_context>

<pallas_src>
import functools

import jax
import jax.numpy as jnp
from jax import lax
from jax.experimental import pallas as pl
from jax.experimental.pallas import tpu as pltpu
from jax.experimental.pallas import tpu_sc as plsc

_L = 16


def _make_gather(d, nw, ch, cw, lpb, t):
    per_w = ch * cw
    mesh = plsc.VectorSubcoreMesh(core_axis_name="c", subcore_axis_name="s")
    nc = mesh.num_cores

    mul, sh = 5243, 18
    assert lpb == 50 and per_w <= 6400

    @functools.partial(
        pl.kernel,
        out_type=jax.ShapeDtypeStruct((nw * per_w, d), jnp.float32),
        mesh=mesh,
        scratch_types=[
            pltpu.VMEM((ch, cw), jnp.int32),
            pltpu.VMEM((2, cw, d), jnp.float32),
            pltpu.SemaphoreType.DMA,
            pltpu.SemaphoreType.DMA,
        ],
        compiler_params=pltpu.CompilerParams(use_tc_tiling_on_sc=False),
    )
    def k(bounds_hbm, table_hbm, out_hbm, idx_v, rows_v, gsem, osem):
        wid = lax.axis_index("s") * nc + lax.axis_index("c")
        pltpu.sync_copy(bounds_hbm.at[wid], idx_v)
        wbase = wid * (per_w // lpb)

        lane = lax.iota(jnp.int32, 16)

        def compute_idx(j, carry):
            for kk in range(cw // _L):
                n = j * cw + kk * _L + lane
                b = lax.shift_right_logical(n * mul, sh)
                raw = idx_v[j, pl.ds(kk * _L, _L)]
                g = lax.shift_right_logical(raw, 2) + (wbase + b) * t
                idx_v[j, pl.ds(kk * _L, _L)] = g
            return carry

        lax.fori_loop(0, ch, compute_idx, 0)

        def gather(j, buf):
            return pltpu.async_copy(
                table_hbm.at[idx_v.at[j]], rows_v.at[buf], gsem)

        gather(0, 0)

        def step(j, carry):
            buf = lax.rem(j, 2)
            pltpu.make_async_copy(
                table_hbm.at[idx_v.at[j]], rows_v.at[buf], gsem).wait()

            @pl.when(j < ch - 1)
            def _():
                gather(j + 1, 1 - buf)

            pltpu.async_copy(
                rows_v.at[buf],
                out_hbm.at[pl.ds(wid * per_w + j * cw, cw)],
                osem).wait()
            return carry

        lax.fori_loop(0, ch, step, 0)

    return k


def kernel(X, bounds):
    B, T, D = X.shape
    Bb, L = bounds.shape
    NW = 32
    assert B == Bb and (B * L) % NW == 0
    per_w = B * L // NW
    CW = 128
    CH = per_w // CW
    table = X.reshape(B * T, D)
    b3 = bounds.astype(jnp.int32).reshape(NW, CH, CW)
    fn = _make_gather(D, NW, CH, CW, L, T)
    out = fn(b3, table)
    return out.reshape(B, L, D)

# --- scband reference (transcript-rebuilt; emitter-appended) ---
"""Pipeline reference for scband-gather-layer-5927054868857 (READ-ONLY COPY).

The authoritative reference and input builder live on the scoring server;
editing this copy changes nothing except your own understanding.
"""

import jax, jax.numpy as jnp
import numpy as np

SUBSAMPLING_FACTOR = 4

def setup_inputs(seed: int = 0) -> dict:
    key = jax.random.key(seed)
    k1, k2 = jax.random.split(key)
    X = jax.random.normal(k1, (4096, 200, 64), dtype=jnp.float32)
    bounds = jax.random.randint(k2, (4096, 50), 0, 800, dtype=jnp.int64)
    return {"X": X, "bounds": bounds}

def reference(X, bounds):
    # Faithful translation of GatherLayer.call:
    # indices = stack([repeat(range(B), L).reshape(B, L), bounds // sub], -1)
    # out = gather_nd(X, indices)  -> X[b, bounds[b, l] // sub]
    idx = (bounds // SUBSAMPLING_FACTOR).astype(jnp.int32)  # [B, L]
    out = jnp.take_along_axis(X, idx[..., None], axis=1)  # [B, L, d]
    return out

if __name__ == "__main__":
    import jax
    _d = setup_inputs()
    print(jax.jit(kernel)(*tuple(_d.values())))

</pallas_src>

<mosaic_0001>
#map = affine_map<(d0, d1) -> (0, 0, 0)>
#map1 = affine_map<(d0, d1) -> (0, 0)>
module attributes {stable_mosaic.version = 14 : i64} {
  func.func @k(%arg0: i32, %arg1: i32, %arg2: memref<32x50x128xi32, #tpu.memory_space<hbm>>, %arg3: memref<819200x64xf32, #tpu.memory_space<hbm>>, %arg4: memref<204800x64xf32, #tpu.memory_space<hbm>>, %arg5: memref<50x128xi32, #tpu.memory_space<vmem>>, %arg6: memref<2x128x64xf32, #tpu.memory_space<vmem>>, %arg7: memref<!tpu.dma_semaphore, #tpu.memory_space<semaphore_mem>>, %arg8: memref<!tpu.dma_semaphore, #tpu.memory_space<semaphore_mem>>) attributes {dimension_semantics = [#tpu.dimension_semantics<core_parallel>, #tpu.dimension_semantics<subcore_parallel>], iteration_bounds = array<i64: 2, 16>, scalar_prefetch = 0 : i64, scratch_operands = 4 : i64, tpu.core_type = #tpu.core_type<sc_vector_subcore>, window_params = [{transform_indices = #map}, {transform_indices = #map1}, {transform_indices = #map1}]} {
    %mul3A = arith.constant 2 : i32
    %mul3A_0 = arith.muli %arg1, %mul3A : i32
    %add3A = arith.addi %mul3A_0, %arg0 : i32
    "tpu.region"() ({
      %run_scoped3A = tpu.sem_alloc : memref<!tpu.dma_semaphore, #tpu.memory_space<semaphore_mem>>
      %dma_start3A_25 = arith.constant 0 : i32
      %dma_start3A_26 = arith.constant 0 : i32
      %dma_start3A_27 = tpu.memref_slice %arg2[%add3A, %dma_start3A_25, %dma_start3A_26] : memref<32x50x128xi32, #tpu.memory_space<hbm>> -> memref<1x50x128xi32, #tpu.memory_space<hbm>>
      %dma_start3A_28 = tpu.memref_squeeze %dma_start3A_27 : memref<1x50x128xi32, #tpu.memory_space<hbm>> -> memref<50x128xi32, #tpu.memory_space<hbm>>
      %dma_start3A_29 = arith.constant 0 : i32
      %dma_start3A_30 = arith.constant 0 : i32
      %dma_start3A_31 = tpu.memref_slice %arg2[%add3A, %dma_start3A_29, %dma_start3A_30] : memref<32x50x128xi32, #tpu.memory_space<hbm>> -> memref<1x50x128xi32, #tpu.memory_space<hbm>>
      %dma_start3A_32 = tpu.memref_squeeze %dma_start3A_31 : memref<1x50x128xi32, #tpu.memory_space<hbm>> -> memref<50x128xi32, #tpu.memory_space<hbm>>
      tpu.enqueue_dma source(%dma_start3A_32 : memref<50x128xi32, #tpu.memory_space<hbm>>) target(%arg5 : memref<50x128xi32, #tpu.memory_space<vmem>>) target_semaphore(%run_scoped3A : memref<!tpu.dma_semaphore, #tpu.memory_space<semaphore_mem>>)
      %dma_wait3A = arith.constant 0 : i32
      %dma_wait3A_33 = arith.constant 0 : i32
      %dma_wait3A_34 = tpu.memref_slice %arg2[%add3A, %dma_wait3A, %dma_wait3A_33] : memref<32x50x128xi32, #tpu.memory_space<hbm>> -> memref<1x50x128xi32, #tpu.memory_space<hbm>>
      %dma_wait3A_35 = tpu.memref_squeeze %dma_wait3A_34 : memref<1x50x128xi32, #tpu.memory_space<hbm>> -> memref<50x128xi32, #tpu.memory_space<hbm>>
      %dma_wait3A_36 = arith.constant 0 : i32
      %dma_wait3A_37 = arith.constant 0 : i32
      %dma_wait3A_38 = tpu.memref_slice %arg2[%add3A, %dma_wait3A_36, %dma_wait3A_37] : memref<32x50x128xi32, #tpu.memory_space<hbm>> -> memref<1x50x128xi32, #tpu.memory_space<hbm>>
      %dma_wait3A_39 = tpu.memref_squeeze %dma_wait3A_38 : memref<1x50x128xi32, #tpu.memory_space<hbm>> -> memref<50x128xi32, #tpu.memory_space<hbm>>
      tpu.wait_dma2 semaphore(%run_scoped3A : memref<!tpu.dma_semaphore, #tpu.memory_space<semaphore_mem>>) src(%dma_wait3A_39 : memref<50x128xi32, #tpu.memory_space<hbm>>) dst(%arg5 : memref<50x128xi32, #tpu.memory_space<vmem>>)
      tpu.yield
    }) : () -> ()
    %mul3A_1 = arith.constant 128 : i32
    %mul3A_2 = arith.muli %add3A, %mul3A_1 : i32
    %iota3A = tpu.iota {dimensions = array<i32: 0>} : vector<16xi32>
    %scan3A = arith.constant 0 : i32
    %scan3A_3 = arith.constant 0 : i32
    %scan3A_4 = arith.constant 50 : i32
    %scan3A_5 = arith.addi %scan3A_3, %scan3A_4 : i32
    %scan3A_6 = arith.constant 1 : i32
    scf.for %scan3A_25 = %scan3A_3 to %scan3A_5 step %scan3A_6  : i32 {
      %mul3A_26 = arith.constant 128 : i32
      %mul3A_27 = arith.muli %scan3A_25, %mul3A_26 : i32
      %add3A_28 = arith.constant 0 : i32
      %add3A_29 = arith.addi %mul3A_27, %add3A_28 : i32
      %add3A_30 = vector.broadcast %add3A_29 : i32 to vector<16xi32>
      %add3A_31 = arith.addi %add3A_30, %iota3A : vector<16xi32>
      %mul3A_32 = arith.constant 5243 : i32
      %mul3A_33 = vector.broadcast %mul3A_32 : i32 to vector<16xi32>
      %mul3A_34 = arith.muli %add3A_31, %mul3A_33 : vector<16xi32>
      %shift_right_logical3A = arith.constant 18 : i32
      %shift_right_logical3A_35 = vector.broadcast %shift_right_logical3A : i32 to vector<16xi32>
      %shift_right_logical3A_36 = arith.shrui %mul3A_34, %shift_right_logical3A_35 : vector<16xi32>
      %get3A = arith.index_cast %scan3A_25 : i32 to index
      %get3A_37 = arith.constant 0 : index
      %get3A_38 = tpu.vector_load %arg5[%get3A, %get3A_37] {strides = array<i32>} : memref<50x128xi32, #tpu.memory_space<vmem>>, vector<1x16xi32>,
      %get3A_39 = vector.shape_cast %get3A_38 : vector<1x16xi32> to vector<16xi32>
      %shift_right_logical3A_40 = arith.constant 2 : i32
      %shift_right_logical3A_41 = vector.broadcast %shift_right_logical3A_40 : i32 to vector<16xi32>
      %shift_right_logical3A_42 = arith.shrui %get3A_39, %shift_right_logical3A_41 : vector<16xi32>
      %add3A_43 = vector.broadcast %mul3A_2 : i32 to vector<16xi32>
      %add3A_44 = arith.addi %add3A_43, %shift_right_logical3A_36 : vector<16xi32>
      %mul3A_45 = arith.constant 200 : i32
      %mul3A_46 = vector.broadcast %mul3A_45 : i32 to vector<16xi32>
      %mul3A_47 = arith.muli %add3A_44, %mul3A_46 : vector<16xi32>
      %add3A_48 = arith.addi %shift_right_logical3A_42, %mul3A_47 : vector<16xi32>
      %swap3A = arith.index_cast %scan3A_25 : i32 to index
      %swap3A_49 = arith.constant 0 : index
      %swap3A_50 = tpu.vector_load %arg5[%swap3A, %swap3A_49] {strides = array<i32>} : memref<50x128xi32, #tpu.memory_space<vmem>>, vector<1x16xi32>,
      %swap3A_51 = vector.shape_cast %swap3A_50 : vector<1x16xi32> to vector<16xi32>
      %swap3A_52 = vector.shape_cast %add3A_48 : vector<16xi32> to vector<1x16xi32>
      tpu.vector_store %arg5[%swap3A, %swap3A_49], %swap3A_52 {strides = array<i32>} : memref<50x128xi32, #tpu.memory_space<vmem>>, vector<1x16xi32>,
      %mul3A_53 = arith.constant 128 : i32
      %mul3A_54 = arith.muli %scan3A_25, %mul3A_53 : i32
      %add3A_55 = arith.constant 16 : i32
      %add3A_56 = arith.addi %mul3A_54, %add3A_55 : i32
      %add3A_57 = vector.broadcast %add3A_56 : i32 to vector<16xi32>
      %add3A_58 = arith.addi %add3A_57, %iota3A : vector<16xi32>
      %mul3A_59 = arith.constant 5243 : i32
      %mul3A_60 = vector.broadcast %mul3A_59 : i32 to vector<16xi32>
      %mul3A_61 = arith.muli %add3A_58, %mul3A_60 : vector<16xi32>
      %shift_right_logical3A_62 = arith.constant 18 : i32
      %shift_right_logical3A_63 = vector.broadcast %shift_right_logical3A_62 : i32 to vector<16xi32>
      %shift_right_logical3A_64 = arith.shrui %mul3A_61, %shift_right_logical3A_63 : vector<16xi32>
      %get3A_65 = arith.index_cast %scan3A_25 : i32 to index
      %get3A_66 = arith.constant 16 : index
      %get3A_67 = tpu.vector_load %arg5[%get3A_65, %get3A_66] {strides = array<i32>} : memref<50x128xi32, #tpu.memory_space<vmem>>, vector<1x16xi32>,
      %get3A_68 = vector.shape_cast %get3A_67 : vector<1x16xi32> to vector<16xi32>
      %shift_right_logical3A_69 = arith.constant 2 : i32
      %shift_right_logical3A_70 = vector.broadcast %shift_right_logical3A_69 : i32 to vector<16xi32>
      %shift_right_logical3A_71 = arith.shrui %get3A_68, %shift_right_logical3A_70 : vector<16xi32>
      %add3A_72 = vector.broadcast %mul3A_2 : i32 to vector<16xi32>
      %add3A_73 = arith.addi %add3A_72, %shift_right_logical3A_64 : vector<16xi32>
      %mul3A_74 = arith.constant 200 : i32
      %mul3A_75 = vector.broadcast %mul3A_74 : i32 to vector<16xi32>
      %mul3A_76 = arith.muli %add3A_73, %mul3A_75 : vector<16xi32>
      %add3A_77 = arith.addi %shift_right_logical3A_71, %mul3A_76 : vector<16xi32>
      %swap3A_78 = arith.index_cast %scan3A_25 : i32 to index
      %swap3A_79 = arith.constant 16 : index
      %swap3A_80 = tpu.vector_load %arg5[%swap3A_78, %swap3A_79] {strides = array<i32>} : memref<50x128xi32, #tpu.memory_space<vmem>>, vector<1x16xi32>,
      %swap3A_81 = vector.shape_cast %swap3A_80 : vector<1x16xi32> to vector<16xi32>
      %swap3A_82 = vector.shape_cast %add3A_77 : vector<16xi32> to vector<1x16xi32>
      tpu.vector_store %arg5[%swap3A_78, %swap3A_79], %swap3A_82 {strides = array<i32>} : memref<50x128xi32, #tpu.memory_space<vmem>>, vector<1x16xi32>,
      %mul3A_83 = arith.constant 128 : i32
      %mul3A_84 = arith.muli %scan3A_25, %mul3A_83 : i32
      %add3A_85 = arith.constant 32 : i32
      %add3A_86 = arith.addi %mul3A_84, %add3A_85 : i32
      %add3A_87 = vector.broadcast %add3A_86 : i32 to vector<16xi32>
      %add3A_88 = arith.addi %add3A_87, %iota3A : vector<16xi32>
      %mul3A_89 = arith.constant 5243 : i32
      %mul3A_90 = vector.broadcast %mul3A_89 : i32 to vector<16xi32>
      %mul3A_91 = arith.muli %add3A_88, %mul3A_90 : vector<16xi32>
      %shift_right_logical3A_92 = arith.constant 18 : i32
      %shift_right_logical3A_93 = vector.broadcast %shift_right_logical3A_92 : i32 to vector<16xi32>
      %shift_right_logical3A_94 = arith.shrui %mul3A_91, %shift_right_logical3A_93 : vector<16xi32>
      %get3A_95 = arith.index_cast %scan3A_25 : i32 to index
      %get3A_96 = arith.constant 32 : index
      %get3A_97 = tpu.vector_load %arg5[%get3A_95, %get3A_96] {strides = array<i32>} : memref<50x128xi32, #tpu.memory_space<vmem>>, vector<1x16xi32>,
      %get3A_98 = vector.shape_cast %get3A_97 : vector<1x16xi32> to vector<16xi32>
      %shift_right_logical3A_99 = arith.constant 2 : i32
      %shift_right_logical3A_100 = vector.broadcast %shift_right_logical3A_99 : i32 to vector<16xi32>
      %shift_right_logical3A_101 = arith.shrui %get3A_98, %shift_right_logical3A_100 : vector<16xi32>
      %add3A_102 = vector.broadcast %mul3A_2 : i32 to vector<16xi32>
      %add3A_103 = arith.addi %add3A_102, %shift_right_logical3A_94 : vector<16xi32>
      %mul3A_104 = arith.constant 200 : i32
      %mul3A_105 = vector.broadcast %mul3A_104 : i32 to vector<16xi32>
      %mul3A_106 = arith.muli %add3A_103, %mul3A_105 : vector<16xi32>
      %add3A_107 = arith.addi %shift_right_logical3A_101, %mul3A_106 : vector<16xi32>
      %swap3A_108 = arith.index_cast %scan3A_25 : i32 to index
      %swap3A_109 = arith.constant 32 : index
      %swap3A_110 = tpu.vector_load %arg5[%swap3A_108, %swap3A_109] {strides = array<i32>} : memref<50x128xi32, #tpu.memory_space<vmem>>, vector<1x16xi32>,
      %swap3A_111 = vector.shape_cast %swap3A_110 : vector<1x16xi32> to vector<16xi32>
      %swap3A_112 = vector.shape_cast %add3A_107 : vector<16xi32> to vector<1x16xi32>
      tpu.vector_store %arg5[%swap3A_108, %swap3A_109], %swap3A_112 {strides = array<i32>} : memref<50x128xi32, #tpu.memory_space<vmem>>, vector<1x16xi32>,
      %mul3A_113 = arith.constant 128 : i32
      %mul3A_114 = arith.muli %scan3A_25, %mul3A_113 : i32
      %add3A_115 = arith.constant 48 : i32
      %add3A_116 = arith.addi %mul3A_114, %add3A_115 : i32
      %add3A_117 = vector.broadcast %add3A_116 : i32 to vector<16xi32>
      %add3A_118 = arith.addi %add3A_117, %iota3A : vector<16xi32>
      %mul3A_119 = arith.constant 5243 : i32
      %mul3A_120 = vector.broadcast %mul3A_119 : i32 to vector<16xi32>
      %mul3A_121 = arith.muli %add3A_118, %mul3A_120 : vector<16xi32>
      %shift_right_logical3A_122 = arith.constant 18 : i32
      %shift_right_logical3A_123 = vector.broadcast %shift_right_logical3A_122 : i32 to vector<16xi32>
      %shift_right_logical3A_124 = arith.shrui %mul3A_121, %shift_right_logical3A_123 : vector<16xi32>
      %get3A_125 = arith.index_cast %scan3A_25 : i32 to index
      %get3A_126 = arith.constant 48 : index
      %get3A_127 = tpu.vector_load %arg5[%get3A_125, %get3A_126] {strides = array<i32>} : memref<50x128xi32, #tpu.memory_space<vmem>>, vector<1x16xi32>,
      %get3A_128 = vector.shape_cast %get3A_127 : vector<1x16xi32> to vector<16xi32>
      %shift_right_logical3A_129 = arith.constant 2 : i32
      %shift_right_logical3A_130 = vector.broadcast %shift_right_logical3A_129 : i32 to vector<16xi32>
      %shift_right_logical3A_131 = arith.shrui %get3A_128, %shift_right_logical3A_130 : vector<16xi32>
      %add3A_132 = vector.broadcast %mul3A_2 : i32 to vector<16xi32>
      %add3A_133 = arith.addi %add3A_132, %shift_right_logical3A_124 : vector<16xi32>
      %mul3A_134 = arith.constant 200 : i32
      %mul3A_135 = vector.broadcast %mul3A_134 : i32 to vector<16xi32>
      %mul3A_136 = arith.muli %add3A_133, %mul3A_135 : vector<16xi32>
      %add3A_137 = arith.addi %shift_right_logical3A_131, %mul3A_136 : vector<16xi32>
      %swap3A_138 = arith.index_cast %scan3A_25 : i32 to index
      %swap3A_139 = arith.constant 48 : index
      %swap3A_140 = tpu.vector_load %arg5[%swap3A_138, %swap3A_139] {strides = array<i32>} : memref<50x128xi32, #tpu.memory_space<vmem>>, vector<1x16xi32>,
      %swap3A_141 = vector.shape_cast %swap3A_140 : vector<1x16xi32> to vector<16xi32>
      %swap3A_142 = vector.shape_cast %add3A_137 : vector<16xi32> to vector<1x16xi32>
      tpu.vector_store %arg5[%swap3A_138, %swap3A_139], %swap3A_142 {strides = array<i32>} : memref<50x128xi32, #tpu.memory_space<vmem>>, vector<1x16xi32>,
      %mul3A_143 = arith.constant 128 : i32
      %mul3A_144 = arith.muli %scan3A_25, %mul3A_143 : i32
      %add3A_145 = arith.constant 64 : i32
      %add3A_146 = arith.addi %mul3A_144, %add3A_145 : i32
      %add3A_147 = vector.broadcast %add3A_146 : i32 to vector<16xi32>
      %add3A_148 = arith.addi %add3A_147, %iota3A : vector<16xi32>
      %mul3A_149 = arith.constant 5243 : i32
      %mul3A_150 = vector.broadcast %mul3A_149 : i32 to vector<16xi32>
      %mul3A_151 = arith.muli %add3A_148, %mul3A_150 : vector<16xi32>
      %shift_right_logical3A_152 = arith.constant 18 : i32
      %shift_right_logical3A_153 = vector.broadcast %shift_right_logical3A_152 : i32 to vector<16xi32>
      %shift_right_logical3A_154 = arith.shrui %mul3A_151, %shift_right_logical3A_153 : vector<16xi32>
      %get3A_155 = arith.index_cast %scan3A_25 : i32 to index
      %get3A_156 = arith.constant 64 : index
      %get3A_157 = tpu.vector_load %arg5[%get3A_155, %get3A_156] {strides = array<i32>} : memref<50x128xi32, #tpu.memory_space<vmem>>, vector<1x16xi32>,
      %get3A_158 = vector.shape_cast %get3A_157 : vector<1x16xi32> to vector<16xi32>
      %shift_right_logical3A_159 = arith.constant 2 : i32
      %shift_right_logical3A_160 = vector.broadcast %shift_right_logical3A_159 : i32 to vector<16xi32>
      %shift_right_logical3A_161 = arith.shrui %get3A_158, %shift_right_logical3A_160 : vector<16xi32>
      %add3A_162 = vector.broadcast %mul3A_2 : i32 to vector<16xi32>
      %add3A_163 = arith.addi %add3A_162, %shift_right_logical3A_154 : vector<16xi32>
      %mul3A_164 = arith.constant 200 : i32
      %mul3A_165 = vector.broadcast %mul3A_164 : i32 to vector<16xi32>
      %mul3A_166 = arith.muli %add3A_163, %mul3A_165 : vector<16xi32>
      %add3A_167 = arith.addi %shift_right_logical3A_161, %mul3A_166 : vector<16xi32>
      %swap3A_168 = arith.index_cast %scan3A_25 : i32 to index
      %swap3A_169 = arith.constant 64 : index
      %swap3A_170 = tpu.vector_load %arg5[%swap3A_168, %swap3A_169] {strides = array<i32>} : memref<50x128xi32, #tpu.memory_space<vmem>>, vector<1x16xi32>,
      %swap3A_171 = vector.shape_cast %swap3A_170 : vector<1x16xi32> to vector<16xi32>
      %swap3A_172 = vector.shape_cast %add3A_167 : vector<16xi32> to vector<1x16xi32>
      tpu.vector_store %arg5[%swap3A_168, %swap3A_169], %swap3A_172 {strides = array<i32>} : memref<50x128xi32, #tpu.memory_space<vmem>>, vector<1x16xi32>,
      %mul3A_173 = arith.constant 128 : i32
      %mul3A_174 = arith.muli %scan3A_25, %mul3A_173 : i32
      %add3A_175 = arith.constant 80 : i32
      %add3A_176 = arith.addi %mul3A_174, %add3A_175 : i32
      %add3A_177 = vector.broadcast %add3A_176 : i32 to vector<16xi32>
      %add3A_178 = arith.addi %add3A_177, %iota3A : vector<16xi32>
      %mul3A_179 = arith.constant 5243 : i32
      %mul3A_180 = vector.broadcast %mul3A_179 : i32 to vector<16xi32>
      %mul3A_181 = arith.muli %add3A_178, %mul3A_180 : vector<16xi32>
      %shift_right_logical3A_182 = arith.constant 18 : i32
      %shift_right_logical3A_183 = vector.broadcast %shift_right_logical3A_182 : i32 to vector<16xi32>
      %shift_right_logical3A_184 = arith.shrui %mul3A_181, %shift_right_logical3A_183 : vector<16xi32>
      %get3A_185 = arith.index_cast %scan3A_25 : i32 to index
      %get3A_186 = arith.constant 80 : index
      %get3A_187 = tpu.vector_load %arg5[%get3A_185, %get3A_186] {strides = array<i32>} : memref<50x128xi32, #tpu.memory_space<vmem>>, vector<1x16xi32>,
      %get3A_188 = vector.shape_cast %get3A_187 : vector<1x16xi32> to vector<16xi32>
      %shift_right_logical3A_189 = arith.constant 2 : i32
      %shift_right_logical3A_190 = vector.broadcast %shift_right_logical3A_189 : i32 to vector<16xi32>
      %shift_right_logical3A_191 = arith.shrui %get3A_188, %shift_right_logical3A_190 : vector<16xi32>
      %add3A_192 = vector.broadcast %mul3A_2 : i32 to vector<16xi32>
      %add3A_193 = arith.addi %add3A_192, %shift_right_logical3A_184 : vector<16xi32>
      %mul3A_194 = arith.constant 200 : i32
      %mul3A_195 = vector.broadcast %mul3A_194 : i32 to vector<16xi32>
      %mul3A_196 = arith.muli %add3A_193, %mul3A_195 : vector<16xi32>
      %add3A_197 = arith.addi %shift_right_logical3A_191, %mul3A_196 : vector<16xi32>
      %swap3A_198 = arith.index_cast %scan3A_25 : i32 to index
      %swap3A_199 = arith.constant 80 : index
      %swap3A_200 = tpu.vector_load %arg5[%swap3A_198, %swap3A_199] {strides = array<i32>} : memref<50x128xi32, #tpu.memory_space<vmem>>, vector<1x16xi32>,
      %swap3A_201 = vector.shape_cast %swap3A_200 : vector<1x16xi32> to vector<16xi32>
      %swap3A_202 = vector.shape_cast %add3A_197 : vector<16xi32> to vector<1x16xi32>
      tpu.vector_store %arg5[%swap3A_198, %swap3A_199], %swap3A_202 {strides = array<i32>} : memref<50x128xi32, #tpu.memory_space<vmem>>, vector<1x16xi32>,
      %mul3A_203 = arith.constant 128 : i32
      %mul3A_204 = arith.muli %scan3A_25, %mul3A_203 : i32
      %add3A_205 = arith.constant 96 : i32
      %add3A_206 = arith.addi %mul3A_204, %add3A_205 : i32
      %add3A_207 = vector.broadcast %add3A_206 : i32 to vector<16xi32>
      %add3A_208 = arith.addi %add3A_207, %iota3A : vector<16xi32>
      %mul3A_209 = arith.constant 5243 : i32
      %mul3A_210 = vector.broadcast %mul3A_209 : i32 to vector<16xi32>
      %mul3A_211 = arith.muli %add3A_208, %mul3A_210 : vector<16xi32>
      %shift_right_logical3A_212 = arith.constant 18 : i32
      %shift_right_logical3A_213 = vector.broadcast %shift_right_logical3A_212 : i32 to vector<16xi32>
      %shift_right_logical3A_214 = arith.shrui %mul3A_211, %shift_right_logical3A_213 : vector<16xi32>
      %get3A_215 = arith.index_cast %scan3A_25 : i32 to index
      %get3A_216 = arith.constant 96 : index
      %get3A_217 = tpu.vector_load %arg5[%get3A_215, %get3A_216] {strides = array<i32>} : memref<50x128xi32, #tpu.memory_space<vmem>>, vector<1x16xi32>,
      %get3A_218 = vector.shape_cast %get3A_217 : vector<1x16xi32> to vector<16xi32>
      %shift_right_logical3A_219 = arith.constant 2 : i32
      %shift_right_logical3A_220 = vector.broadcast %shift_right_logical3A_219 : i32 to vector<16xi32>
      %shift_right_logical3A_221 = arith.shrui %get3A_218, %shift_right_logical3A_220 : vector<16xi32>
      %add3A_222 = vector.broadcast %mul3A_2 : i32 to vector<16xi32>
      %add3A_223 = arith.addi %add3A_222, %shift_right_logical3A_214 : vector<16xi32>
      %mul3A_224 = arith.constant 200 : i32
      %mul3A_225 = vector.broadcast %mul3A_224 : i32 to vector<16xi32>
      %mul3A_226 = arith.muli %add3A_223, %mul3A_225 : vector<16xi32>
      %add3A_227 = arith.addi %shift_right_logical3A_221, %mul3A_226 : vector<16xi32>
      %swap3A_228 = arith.index_cast %scan3A_25 : i32 to index
      %swap3A_229 = arith.constant 96 : index
      %swap3A_230 = tpu.vector_load %arg5[%swap3A_228, %swap3A_229] {strides = array<i32>} : memref<50x128xi32, #tpu.memory_space<vmem>>, vector<1x16xi32>,
      %swap3A_231 = vector.shape_cast %swap3A_230 : vector<1x16xi32> to vector<16xi32>
      %swap3A_232 = vector.shape_cast %add3A_227 : vector<16xi32> to vector<1x16xi32>
      tpu.vector_store %arg5[%swap3A_228, %swap3A_229], %swap3A_232 {strides = array<i32>} : memref<50x128xi32, #tpu.memory_space<vmem>>, vector<1x16xi32>,
      %mul3A_233 = arith.constant 128 : i32
      %mul3A_234 = arith.muli %scan3A_25, %mul3A_233 : i32
      %add3A_235 = arith.constant 112 : i32
      %add3A_236 = arith.addi %mul3A_234, %add3A_235 : i32
      %add3A_237 = vector.broadcast %add3A_236 : i32 to vector<16xi32>
      %add3A_238 = arith.addi %add3A_237, %iota3A : vector<16xi32>
      %mul3A_239 = arith.constant 5243 : i32
      %mul3A_240 = vector.broadcast %mul3A_239 : i32 to vector<16xi32>
      %mul3A_241 = arith.muli %add3A_238, %mul3A_240 : vector<16xi32>
      %shift_right_logical3A_242 = arith.constant 18 : i32
      %shift_right_logical3A_243 = vector.broadcast %shift_right_logical3A_242 : i32 to vector<16xi32>
      %shift_right_logical3A_244 = arith.shrui %mul3A_241, %shift_right_logical3A_243 : vector<16xi32>
      %get3A_245 = arith.index_cast %scan3A_25 : i32 to index
      %get3A_246 = arith.constant 112 : index
      %get3A_247 = tpu.vector_load %arg5[%get3A_245, %get3A_246] {strides = array<i32>} : memref<50x128xi32, #tpu.memory_space<vmem>>, vector<1x16xi32>,
      %get3A_248 = vector.shape_cast %get3A_247 : vector<1x16xi32> to vector<16xi32>
      %shift_right_logical3A_249 = arith.constant 2 : i32
      %shift_right_logical3A_250 = vector.broadcast %shift_right_logical3A_249 : i32 to vector<16xi32>
      %shift_right_logical3A_251 = arith.shrui %get3A_248, %shift_right_logical3A_250 : vector<16xi32>
      %add3A_252 = vector.broadcast %mul3A_2 : i32 to vector<16xi32>
      %add3A_253 = arith.addi %add3A_252, %shift_right_logical3A_244 : vector<16xi32>
      %mul3A_254 = arith.constant 200 : i32
      %mul3A_255 = vector.broadcast %mul3A_254 : i32 to vector<16xi32>
      %mul3A_256 = arith.muli %add3A_253, %mul3A_255 : vector<16xi32>
      %add3A_257 = arith.addi %shift_right_logical3A_251, %mul3A_256 : vector<16xi32>
      %swap3A_258 = arith.index_cast %scan3A_25 : i32 to index
      %swap3A_259 = arith.constant 112 : index
      %swap3A_260 = tpu.vector_load %arg5[%swap3A_258, %swap3A_259] {strides = array<i32>} : memref<50x128xi32, #tpu.memory_space<vmem>>, vector<1x16xi32>,
      %swap3A_261 = vector.shape_cast %swap3A_260 : vector<1x16xi32> to vector<16xi32>
      %swap3A_262 = vector.shape_cast %add3A_257 : vector<16xi32> to vector<1x16xi32>
      tpu.vector_store %arg5[%swap3A_258, %swap3A_259], %swap3A_262 {strides = array<i32>} : memref<50x128xi32, #tpu.memory_space<vmem>>, vector<1x16xi32>,
    }
    %scan3A_7 = arith.constant 50 : i32
    %dma_start3A = arith.constant 0 : i32
    %dma_start3A_8 = arith.constant 0 : i32
    %dma_start3A_9 = arith.constant 0 : i32
    %dma_start3A_10 = arith.constant 0 : i32
    %dma_start3A_11 = tpu.memref_slice %arg6[%dma_start3A_8, %dma_start3A_9, %dma_start3A_10] : memref<2x128x64xf32, #tpu.memory_space<vmem>> -> memref<1x128x64xf32, #tpu.memory_space<vmem>>
    %dma_start3A_12 = tpu.memref_squeeze %dma_start3A_11 : memref<1x128x64xf32, #tpu.memory_space<vmem>> -> memref<128x64xf32, #tpu.memory_space<vmem>>
    %dma_start3A_13 = arith.constant 0 : i32
    %dma_start3A_14 = tpu.memref_slice %arg5[%dma_start3A, %dma_start3A_13] : memref<50x128xi32, #tpu.memory_space<vmem>> -> memref<1x128xi32, #tpu.memory_space<vmem>>
    %dma_start3A_15 = tpu.memref_squeeze %dma_start3A_14 : memref<1x128xi32, #tpu.memory_space<vmem>> -> memref<128xi32, #tpu.memory_space<vmem>>
    %dma_start3A_16 = arith.constant 0 : i32
    %dma_start3A_17 = arith.constant 0 : i32
    %dma_start3A_18 = tpu.memref_slice %arg3[%dma_start3A_16, %dma_start3A_17] : memref<819200x64xf32, #tpu.memory_space<hbm>> -> memref<819200x64xf32, #tpu.memory_space<hbm>>
    tpu.enqueue_indirect_dma source(%dma_start3A_18 : memref<819200x64xf32, #tpu.memory_space<hbm>>) target(%dma_start3A_12 : memref<128x64xf32, #tpu.memory_space<vmem>>) offsets(%dma_start3A_15 : memref<128xi32, #tpu.memory_space<vmem>>) semaphore(%arg7 : memref<!tpu.dma_semaphore, #tpu.memory_space<semaphore_mem>>)
    %scan3A_19 = arith.constant 0 : i32
    %scan3A_20 = arith.constant 0 : i32
    %scan3A_21 = arith.constant 50 : i32
    %scan3A_22 = arith.addi %scan3A_20, %scan3A_21 : i32
    %scan3A_23 = arith.constant 1 : i32
    scf.for %scan3A_25 = %scan3A_20 to %scan3A_22 step %scan3A_23  : i32 {
      %rem3A = arith.constant 2 : i32
      %rem3A_26 = arith.remsi %scan3A_25, %rem3A : i32
      %dma_wait3A = arith.constant 0 : i32
      %dma_wait3A_27 = arith.constant 0 : i32
      %dma_wait3A_28 = tpu.memref_slice %arg6[%rem3A_26, %dma_wait3A, %dma_wait3A_27] : memref<2x128x64xf32, #tpu.memory_space<vmem>> -> memref<1x128x64xf32, #tpu.memory_space<vmem>>
      %dma_wait3A_29 = tpu.memref_squeeze %dma_wait3A_28 : memref<1x128x64xf32, #tpu.memory_space<vmem>> -> memref<128x64xf32, #tpu.memory_space<vmem>>
      %dma_wait3A_30 = arith.constant 0 : i32
      %dma_wait3A_31 = tpu.memref_slice %arg5[%scan3A_25, %dma_wait3A_30] : memref<50x128xi32, #tpu.memory_space<vmem>> -> memref<1x128xi32, #tpu.memory_space<vmem>>
      %dma_wait3A_32 = tpu.memref_squeeze %dma_wait3A_31 : memref<1x128xi32, #tpu.memory_space<vmem>> -> memref<128xi32, #tpu.memory_space<vmem>>
      %dma_wait3A_33 = arith.constant 0 : i32
      %dma_wait3A_34 = arith.constant 0 : i32
      %dma_wait3A_35 = tpu.memref_slice %arg3[%dma_wait3A_33, %dma_wait3A_34] : memref<819200x64xf32, #tpu.memory_space<hbm>> -> memref<819200x64xf32, #tpu.memory_space<hbm>>
      tpu.wait_indirect_dma semaphore(%arg7 : memref<!tpu.dma_semaphore, #tpu.memory_space<semaphore_mem>>) src(%dma_wait3A_35 : memref<819200x64xf32, #tpu.memory_space<hbm>>) dst(%dma_wait3A_29 : memref<128x64xf32, #tpu.memory_space<vmem>>)
      %lt3A = arith.constant 49 : i32
      %lt3A_36 = arith.cmpi slt, %scan3A_25, %lt3A : i32
      %convert_element_type3A = arith.extui %lt3A_36 : i1 to i32
      %cond3A = arith.constant 0 : i32
      %cond3A_37 = arith.cmpi ne, %convert_element_type3A, %cond3A : i32
      scf.if %cond3A_37 {
        %add3A_67 = arith.constant 1 : i32
        %add3A_68 = arith.addi %scan3A_25, %add3A_67 : i32
        %sub3A = arith.constant 1 : i32
        %sub3A_69 = arith.subi %sub3A, %rem3A_26 : i32
        %dma_start3A_70 = arith.constant 0 : i32
        %dma_start3A_71 = arith.constant 0 : i32
        %dma_start3A_72 = tpu.memref_slice %arg6[%sub3A_69, %dma_start3A_70, %dma_start3A_71] : memref<2x128x64xf32, #tpu.memory_space<vmem>> -> memref<1x128x64xf32, #tpu.memory_space<vmem>>
        %dma_start3A_73 = tpu.memref_squeeze %dma_start3A_72 : memref<1x128x64xf32, #tpu.memory_space<vmem>> -> memref<128x64xf32, #tpu.memory_space<vmem>>
        %dma_start3A_74 = arith.constant 0 : i32
        %dma_start3A_75 = tpu.memref_slice %arg5[%add3A_68, %dma_start3A_74] : memref<50x128xi32, #tpu.memory_space<vmem>> -> memref<1x128xi32, #tpu.memory_space<vmem>>
        %dma_start3A_76 = tpu.memref_squeeze %dma_start3A_75 : memref<1x128xi32, #tpu.memory_space<vmem>> -> memref<128xi32, #tpu.memory_space<vmem>>
        %dma_start3A_77 = arith.constant 0 : i32
        %dma_start3A_78 = arith.constant 0 : i32
        %dma_start3A_79 = tpu.memref_slice %arg3[%dma_start3A_77, %dma_start3A_78] : memref<819200x64xf32, #tpu.memory_space<hbm>> -> memref<819200x64xf32, #tpu.memory_space<hbm>>
        tpu.enqueue_indirect_dma source(%dma_start3A_79 : memref<819200x64xf32, #tpu.memory_space<hbm>>) target(%dma_start3A_73 : memref<128x64xf32, #tpu.memory_space<vmem>>) offsets(%dma_start3A_76 : memref<128xi32, #tpu.memory_space<vmem>>) semaphore(%arg7 : memref<!tpu.dma_semaphore, #tpu.memory_space<semaphore_mem>>)
      } else {
      }
      %mul3A_38 = arith.constant 6400 : i32
      %mul3A_39 = arith.muli %add3A, %mul3A_38 : i32
      %mul3A_40 = arith.constant 128 : i32
      %mul3A_41 = arith.muli %scan3A_25, %mul3A_40 : i32
      %add3A_42 = arith.addi %mul3A_39, %mul3A_41 : i32
      %dma_start3A_43 = arith.constant 0 : i32
      %dma_start3A_44 = arith.constant 0 : i32
      %dma_start3A_45 = tpu.memref_slice %arg6[%rem3A_26, %dma_start3A_43, %dma_start3A_44] : memref<2x128x64xf32, #tpu.memory_space<vmem>> -> memref<1x128x64xf32, #tpu.memory_space<vmem>>
      %dma_start3A_46 = tpu.memref_squeeze %dma_start3A_45 : memref<1x128x64xf32, #tpu.memory_space<vmem>> -> memref<128x64xf32, #tpu.memory_space<vmem>>
      %dma_start3A_47 = arith.constant 0 : i32
      %dma_start3A_48 = tpu.memref_slice %arg4[%add3A_42, %dma_start3A_47] : memref<204800x64xf32, #tpu.memory_space<hbm>> -> memref<128x64xf32, #tpu.memory_space<hbm>>
      %dma_start3A_49 = arith.constant 0 : i32
      %dma_start3A_50 = tpu.memref_slice %arg4[%add3A_42, %dma_start3A_49] : memref<204800x64xf32, #tpu.memory_space<hbm>> -> memref<128x64xf32, #tpu.memory_space<hbm>>
      %dma_start3A_51 = arith.constant 0 : i32
      %dma_start3A_52 = arith.constant 0 : i32
      %dma_start3A_53 = tpu.memref_slice %arg6[%rem3A_26, %dma_start3A_51, %dma_start3A_52] : memref<2x128x64xf32, #tpu.memory_space<vmem>> -> memref<1x128x64xf32, #tpu.memory_space<vmem>>
      %dma_start3A_54 = tpu.memref_squeeze %dma_start3A_53 : memref<1x128x64xf32, #tpu.memory_space<vmem>> -> memref<128x64xf32, #tpu.memory_space<vmem>>
      tpu.enqueue_dma source(%dma_start3A_54 : memref<128x64xf32, #tpu.memory_space<vmem>>) target(%dma_start3A_50 : memref<128x64xf32, #tpu.memory_space<hbm>>) target_semaphore(%arg8 : memref<!tpu.dma_semaphore, #tpu.memory_space<semaphore_mem>>)
      %dma_wait3A_55 = arith.constant 0 : i32
      %dma_wait3A_56 = arith.constant 0 : i32
      %dma_wait3A_57 = tpu.memref_slice %arg6[%rem3A_26, %dma_wait3A_55, %dma_wait3A_56] : memref<2x128x64xf32, #tpu.memory_space<vmem>> -> memref<1x128x64xf32, #tpu.memory_space<vmem>>
      %dma_wait3A_58 = tpu.memref_squeeze %dma_wait3A_57 : memref<1x128x64xf32, #tpu.memory_space<vmem>> -> memref<128x64xf32, #tpu.memory_space<vmem>>
      %dma_wait3A_59 = arith.constant 0 : i32
      %dma_wait3A_60 = tpu.memref_slice %arg4[%add3A_42, %dma_wait3A_59] : memref<204800x64xf32, #tpu.memory_space<hbm>> -> memref<128x64xf32, #tpu.memory_space<hbm>>
      %dma_wait3A_61 = arith.constant 0 : i32
      %dma_wait3A_62 = tpu.memref_slice %arg4[%add3A_42, %dma_wait3A_61] : memref<204800x64xf32, #tpu.memory_space<hbm>> -> memref<128x64xf32, #tpu.memory_space<hbm>>
      %dma_wait3A_63 = arith.constant 0 : i32
      %dma_wait3A_64 = arith.constant 0 : i32
      %dma_wait3A_65 = tpu.memref_slice %arg6[%rem3A_26, %dma_wait3A_63, %dma_wait3A_64] : memref<2x128x64xf32, #tpu.memory_space<vmem>> -> memref<1x128x64xf32, #tpu.memory_space<vmem>>
      %dma_wait3A_66 = tpu.memref_squeeze %dma_wait3A_65 : memref<1x128x64xf32, #tpu.memory_space<vmem>> -> memref<128x64xf32, #tpu.memory_space<vmem>>
      tpu.wait_dma2 semaphore(%arg8 : memref<!tpu.dma_semaphore, #tpu.memory_space<semaphore_mem>>) src(%dma_wait3A_66 : memref<128x64xf32, #tpu.memory_space<vmem>>) dst(%dma_wait3A_62 : memref<128x64xf32, #tpu.memory_space<hbm>>)
    }
    %scan3A_24 = arith.constant 50 : i32
    return
  }
}

</mosaic_0001>

<sc_bundles>
// kernel: kernel.3.cloned.1.call-start
scs
__scs_entry_jumppad:
0x0: {  	(pc) =	sbr.rel $0x88, $3  }
0x1: {  	(tag) =	ssettag $0x0;
	lr =	simm.s32 $0x1  }
0x2: {  	[smem:$0x3F9F] =	sst lr;
	_ =	strace $0xD0000000  }
0x3: {  	_ = 	snop  }
0x4: {  	_ = 	snop  }
0x5: {  	_ = 	snop  }
0x6: {  	_ = 	snop  }
0x7: {  	_ = 	snop  }
__scs_overlays_trampoline_lowered:
0x8: {  	[smem:$0x3FAE] =	sst s0  }
0x9: {  	[smem:$0x3FAF] =	sst s1  }
0xa: {  	[smem:$0x3FB0] =	sst s2  }
0xb: {  	[smem:$0x3FB1] =	sst s3  }
0xc: {  	[smem:$0x3FB2] =	sst s4  }
0xd: {  	[smem:$0x3FB3] =	sst s5  }
0xe: {  	[smem:$0x3FB4] =	sst s6  }
0xf: {  	[smem:$0x3FB5] =	sst s7  }
0x10: {  	[smem:$0x3FB6] =	sst s8  }
0x11: {  	[smem:$0x3FB7] =	sst s9;
	s0 =	simm.s32 @!p0 $0x0  }
0x12: {  	s1 =	sld [smem:$0x3F9D];
	s0 =	simm.s32 @p0 $0x1  }
0x13: {  	[smem:$0x3FB8] =	sst s0;
	s0 =	simm.s32 @!p1 $0x0  }
0x14: {  	s2 =	sld [smem:$0x3F9C];
	s0 =	simm.s32 @p1 $0x1  }
0x15: {  	[smem:$0x3FB9] =	sst s0;
	s0 =	simm.s32 @!p2 $0x0  }
0x16: {  	s3 =	sld [smem:$0x3FDB];
	s0 =	simm.s32 @p2 $0x1  }
0x17: {  	s4 =	simm.s32 $0x1BF5;
	[smem:$0x3FBB] =	sst s0  }
0x18: {  	s0 =	sld [smem:$0x3F9E];
	_ =	swait.ge [sflag:s4], $0x0  }
0x19: {  	s7 =	sld [smem:$0x3F9F]  }
0x1a: {  	s8 =	sadd.s32 $0xFFFFE003, lr  }
0x1b: {  	s9 =	sadd.s32 $0xFFFFFEF7, lr;
	s5 =	simm.s32 $0xFFFFFFFF;
	p2 =	slt.u32 s8, $0xFFFFF086  }
0x1c: {  	p1 =	slt.u32 s9, $0xF7A;
	s5 =	simm.s32 @!p2 $0x0  }
0x1d: {  	s5 =	simm.s32 @p1 $0x1;
	p0 =	seq.s32 s7, s2  }
0x1e: {  	s7 =	smul.u32 @!p0 $0xF7A, s2;
	p2 =	seq.s32 @!p0 s5, $0x0  }
0x1f: {  	s9 =	smul.u32 $0xF7A, s1;
	s8 =	simm.s32 @!p0 $0x1BF5;
	p2 =	por !p2, p0  }
0x20: {  	[sflag:s8] =	ssyncset.s32 @!p0 $0xFFFFF086;
	s6 =	sadd.s32 @!p0 s3, s7;
	s7 =	simm.s32 @!p0 $0x108  }
0x21: {  	s3 =	sadd.s32 s3, s9;
	s6 =	sadd.s32 @!p0 $0x88, s6;
	s7 =	simm.s32 @p2 $0x1082  }
0x22: {  	[simem:s7], [sflag:s8] =	dma.local @!p0 [hbm:s6], $0xF7A  }
0x23: {  	s9 =	sor.u32 $0xD0000000, s2;
	s6 =	simm.s32 $0x108;
	_ =	swait.ge @!p0 [sflag:s8], $0x0  }
0x24: {  	s3 =	sadd.s32 $0x88, s3;
	s6 =	simm.s32 @!p1 $0x1082;
	[sflag:s4] =	ssyncset.s32 $0xFFFFF086  }
0x25: {  	[simem:s6], [sflag:s4] =	dma.local [hbm:s3], $0xF7A  }
0x26: {  	[smem:$0x3F9F] =	sst s1;
	(tag) =	ssettag s2;
	_ =	strace s9  }
0x27: {  	s1 =	sld [smem:$0x3FAF]  }
0x28: {  	s2 =	sld [smem:$0x3FB0]  }
0x29: {  	s4 =	sld [smem:$0x3FB2]  }
0x2a: {  	p0 =	seq.s32 s5, $0x0;
	s5 =	sld [smem:$0x3FB3]  }
0x2b: {  	s6 =	sld [smem:$0x3FB4]  }
0x2c: {  	s7 =	sld [smem:$0x3FB5]  }
0x2d: {  	s3 =	simm.s32 $0x108;
	s8 =	sld [smem:$0x3FB6]  }
0x2e: {  	s3 =	simm.s32 @!p0 $0x1082;
	s9 =	sld [smem:$0x3FB7]  }
0x2f: {  	lr =	sadd.s32 s0, s3;
	s0 =	sld [smem:$0x3FAE]  }
0x30: {  	s3 =	sld [smem:$0x3FB1]  }
0x31: {  	[smem:$0x3FBA] =	sst s10  }
0x32: {  	s10 =	sld [smem:$0x3FB8];
	_ =	sdelay $0x3  }
0x33: {  	p0 =	seq.s32 s10, $0x1;
	s10 =	sld [smem:$0x3FBA];
	_ =	sdelay $0x3  }
0x34: {  	[smem:$0x3FBA] =	sst s10  }
0x35: {  	s10 =	sld [smem:$0x3FB9];
	_ =	sdelay $0x3  }
0x36: {  	p1 =	seq.s32 s10, $0x1;
	s10 =	sld [smem:$0x3FBA];
	_ =	sdelay $0x3  }
0x37: {  	[smem:$0x3FBA] =	sst s10  }
0x38: {  	s10 =	sld [smem:$0x3FBB]  }
0x39: {  	_ = 	snop;
	(pc) =	sbr.ind lr, $3  }
0x3a: {  	_ = 	snop  }
0x3b: {  	_ = 	snop  }
0x3c: {  	p2 =	seq.s32 s10, $0x1;
	s10 =	sld [smem:$0x3FBA]  }
0x3d: {  	_ =	shalt  }
0x3e: {  	_ =	shalt  }
0x3f: {  	_ =	shalt  }
0x40: {  	_ =	shalt  }
0x41: {  	_ =	shalt  }
0x42: {  	_ =	shalt  }
0x43: {  	_ =	shalt  }
0x44: {  	_ =	shalt  }
0x45: {  	_ =	shalt  }
0x46: {  	_ =	shalt  }
0x47: {  	_ =	shalt  }
0x48: {  	_ =	shalt  }
0x49: {  	_ =	shalt  }
0x4a: {  	_ =	shalt  }
0x4b: {  	_ =	shalt  }
0x4c: {  	_ =	shalt  }
0x4d: {  	_ =	shalt  }
0x4e: {  	_ =	shalt  }
0x4f: {  	_ =	shalt  }
0x50: {  	_ =	shalt  }
0x51: {  	_ =	shalt  }
0x52: {  	_ =	shalt  }
0x53: {  	_ =	shalt  }
0x54: {  	_ =	shalt  }
0x55: {  	_ =	shalt  }
0x56: {  	_ =	shalt  }
0x57: {  	_ =	shalt  }
0x58: {  	_ =	shalt  }
0x59: {  	_ =	shalt  }
0x5a: {  	_ =	shalt  }
0x5b: {  	_ =	shalt  }
0x5c: {  	_ =	shalt  }
0x5d: {  	_ =	shalt  }
0x5e: {  	_ =	shalt  }
0x5f: {  	_ =	shalt  }
0x60: {  	_ =	shalt  }
0x61: {  	_ =	shalt  }
0x62: {  	_ =	shalt  }
0x63: {  	_ =	shalt  }
0x64: {  	_ =	shalt  }
0x65: {  	_ =	shalt  }
0x66: {  	_ =	shalt  }
0x67: {  	_ =	shalt  }
0x68: {  	_ =	shalt  }
0x69: {  	_ =	shalt  }
0x6a: {  	_ =	shalt  }
0x6b: {  	_ =	shalt  }
0x6c: {  	_ =	shalt  }
0x6d: {  	_ =	shalt  }
0x6e: {  	_ =	shalt  }
0x6f: {  	_ =	shalt  }
0x70: {  	_ =	shalt  }
0x71: {  	_ =	shalt  }
0x72: {  	_ =	shalt  }
0x73: {  	_ =	shalt  }
0x74: {  	_ =	shalt  }
0x75: {  	_ =	shalt  }
0x76: {  	_ =	shalt  }
0x77: {  	_ =	shalt  }
0x78: {  	_ =	shalt  }
0x79: {  	_ =	shalt  }
0x7a: {  	_ =	shalt  }
0x7b: {  	_ =	shalt  }
0x7c: {  	_ =	shalt  }
0x7d: {  	_ =	shalt  }
0x7e: {  	_ =	shalt  }
0x7f: {  	_ =	shalt  }
0x80: {  	_ =	shalt  }
0x81: {  	_ =	shalt  }
0x82: {  	_ =	shalt  }
0x83: {  	_ =	shalt  }
0x84: {  	_ =	shalt  }
0x85: {  	_ =	shalt  }
0x86: {  	_ =	shalt  }
0x87: {  	_ =	shalt  }
.Lfunc_end0:
.L_simem_size_0:
called_computation.1_lowered:
.L_overlay_start_0:
0x88: {  	s2 =	sld [smem:$0x3FD9]  }
0x89: {  	s3 =	sld [smem:$0x3FFE];
	_ =	sdelay $0x1  }
0x8a: {  	s1 =	srdreg.scid  }
0x8b: {  	s0 =	sand.u32 $0x1, s1  }
0x8c: {  	s17 =	sshll.u32 s0, $0xA;
	s2 =	sadd.s32 s3, s2  }
0x8d: {  	s2 =	sadd.s32 s2, s17  }
0x8e: {  	[smem:$0x3FC6] =	sst s2  }
0x8f: {  	_ = 	snop  }
0x90: {  	s2 =	sld [smem:$0x3FD0];
	(tm) =	ssettm $0x1  }
0x91: {  	s18 =	sld [smem:$0x3FFB];
	_ =	sdelay $0x3  }
0x92: {  	_ =	strace s18  }
0x93: {  	s3 =	sld [smem:$0x3FFC];
	_ =	sdelay $0x3  }
0x94: {  	_ =	strace s3  }
0x95: {  	s3 =	sld [smem:$0x3FFD];
	_ =	sdelay $0x3  }
0x96: {  	_ =	strace s3  }
0x97: {  	_ =	strace $0x8FFFFFFF  }
0x98: {  	s19 =	sld [smem:$0x3FDB];
	_ =	sdelay $0x1  }
0x99: {  	s4 =	simm.s32 $_scs_section_size  }
0x9a: {  	s5 =	simm.s32 $_size__tile_overlayer_lowered;
	s6 =	simm.s32 $_tile_overlayer_lowered  }
0x9b: {  	s22 =	simm.s32 $0x1BFF;
	s21 =	sshll.u32 s6, $0x1;
	s3 =	sadd.s32 s4, s19  }
0x9c: {  	s7 =	simm.s32 $0x0;
	s20 =	sshll.u32 s5, $0x1;
	s5 =	sadd.s32 s21, s3  }
0x9d: {  	[timem:s7], [sflag:s22] =	dma.local [hbm:s5], s20  }
0x9e: {  	_ =	swait.ge [sflag:s22], s20  }
0x9f: {  	s4 =	ssub.s32 $0x0, s20;
	[sflag:s22] =	ssyncset.done $0x0  }
0xa0: {  	[sflag:s22] =	ssyncadd.s32 s4;
	_ =	sdelay $0x1  }
0xa1: {  	s23 =	simm.s32 $0x1B8B  }
0xa2: {  	_ =	swait.ge [sflag:s23], $0x1  }
0xa3: {  	[sflag:s23] =	ssyncset.done $0x0  }
0xa4: {  	s25 =	simm.s32 $0x1B8E;
	s24 =	sld [smem:$0x3FFE];
	[sflag:s23] =	ssyncadd.s32 $0xFFFFFFFF  }
0xa5: {  	s26 =	simm.s32 $execute0_lowered;
	[smem:$0x3FD2] =	sst s25  }
0xa6: {  	s5 =	sshll.u32 s26, $0x1;
	_ =	strace $0x80000046;
	[dreg:$0x1] =	wrdreg $0xFFFFFFFF  }
0xa7: {  	s28 =	simm.s32 $_size_execute0_lowered;
	s3 =	sadd.s32 s3, s5;
	[dreg:$0x0] =	wrdreg $0x0  }
0xa8: {  	s5 =	sshll.u32 s28, $0x1;
	[dreg:$0x2] =	wrdreg s3  }
0xa9: {  	[dreg:$0x3] =	wrdreg s5  }
0xaa: {  	[dreg:$0x4] =	wrdreg $0xC0  }
0xab: {  	_ =	task [dreg:s7], $0x5FFFF  }
0xac: {  	[dreg:$0x1] =	wrdreg $0xFFFFFFFF  }
0xad: {  	[dreg:$0x0] =	wrdreg $0x60  }
0xae: {  	[dreg:$0x2] =	wrdreg s24  }
0xaf: {  	[dreg:$0x3] =	wrdreg s2  }
0xb0: {  	[dreg:$0x4] =	wrdreg $0x9  }
0xb1: {  	_ =	task.clear_ibuf [dreg:s7], $0x5FFFF;
	_ =	strace $0x90000046  }
0xb2: {  	s29 =	simm.s32 $0x9;
	_ =	strace $0x80000048  }
0xb3: {  	_ =	swait.ge [sflag:s29], $0x1  }
0xb4: {  	[sflag:s29] =	ssyncadd.s32 $0xFFFFFFFF  }
0xb5: {  	_ =	strace $0x90000048  }
0xb6: {  	_ =	sfence  }
0xb7: {  	s30 =	sld [smem:$0x0];
	_ =	sdelay $0x2  }
0xb8: {  	s31 =	sshll.u32 s1, $0xD;
	s1 =	sshrl.u32 s1, $0x2  }
0xb9: {  	s3 =	sand.u32 $0x4000, s31;
	s1 =	sadd.s32 s1, s30  }
0xba: {  	s0 =	sor.u32 s3, s0;
	s1 =	sshll.u32 s1, $0x11  }
0xbb: {  	s0 =	sor.u32 s1, s0  }
0xbc: {  	s0 =	sadd.s32 $0x8F2B, s0  }
0xbd: {  	[sflag:s0] =	ssyncadd.remote.s32 $0x1  }
0xbe: {  	_ =	sfence.sel $0xFFFF  }
0xbf: {  	[dreg:$0x0] =	wrdreg $0xFFFFFFFF;
	(pc) =	sbr.abs _section_cstart, $3  }
0xc0: {  	[dreg:$0x1] =	wrdreg $0xFFFFFFFF  }
0xc1: {  	_ =	task.clear_ibuf [dreg:s7], $0x2FFFF;
	_ =	strace $0x9FFFFFFF  }
0xc2: {  	(tm) =	ssettm $0x7FFFFFFF  }
0xc3: {  	_ =	shalt  }
tec
execute0_lowered:
.L_overlay_start_1:
0x0: {  	(tag) =	ssettag $0x1  }
0x1: {  	s1 =	srdreg.scid  }
0x2: {  	s0 =	stileid.u32;
	s3 =	rddreg [dreg:$0x0]  }
0x3: {  	s7 =	rddreg [dreg:$0x1];
	s2 =	simm.s32 $0x0;
	s14 =	simm.s32 $0x0  }
0x4: {  	s4 =	sand.u32 $0x1, s1;
	s29 =	sshll.u32 s0, $0x1;
	s10 =	smul.u32 $0xC8000, s0  }
0x5: {  	s1 =	rddreg [dreg:$0x2];
	s5 =	sor.u32 s4, s29;
	s12 =	smul.u32 $0x64000, s4  }
0x6: {  	[smem:$0x7FF] =	sst s2;
	s9 =	ssub.s32 $0x2, s4;
	s6 =	smul.u32 $0x320, s5  }
0x7: {  	_ =	strace $0x80000047;
	s8 =	smul.u32 $0x64000, s5;
	s11 =	sshrl.u32 s9, $0x1  }
0x8: {  	s13 =	sshll.u32 s5, $0x7;
	s9 =	ssub.s32 s9, s11;
	s31 =	sadd.s32 s12, s10  }
0x9: {  	s10 =	simm.s32 $0x1;
	s11 =	simm.s32 $0x80;
	s12 =	simm.s32 $0x2  }
0xa: {  	v0 =	vmov s13;
	s13 =	simm.s32 $0x3900;
	s6 =	sadd.s32 s6, s3;
	s3 =	sadd.s32 $0xC80A00, s3  }
0xb: {  	s30 =	sshrl.u32 s8, $0x3;
	s5 =	smax.u32 s9, $0x1;
	s8 =	sshrl.u32 s31, $0x3  }
0xc: {  	v1 =	vlaneseq.u32;
	s9 =	simm.s32 $0x1900;
	s4 =	sadd.s32 $0xA00, s6;
	s6 =	sadd.s32 s7, s30  }
0xd: {  	v1 =	vmul.u32 $0x147B, v1;
	s7 =	sadd.s32 s8, s7;
	s8 =	simm.s32 $0x3;
	s6 =	sadd.s32 $0xC400, s6  }
.LBB2_1:
0xe: {  	[tilespmem:s2], [sflag:$0x3] =	stream.linear.gather [hbm4b:s4+s2], $0x1900, $0x38;
	[tilespmem:$0x5900] =	vst v63  }
0xf: {  	_ =	swait.ge [sflag:s8], $0x1900  }
0x10: {  	[sflag:s8] =	ssyncset.done $0x0  }
0x11: {  	s15 =	simm.s32 $0x40;
	[sflag:s8] =	ssyncadd.s32 $0xFFFFE700  }
0x12: {  	s16 =	simm.s32 $0x0;
	s17 =	simm.s32 $0x30;
	v2 =	vld [tilespmem:s15+$0x10]  }
0x13: {  	s18 =	simm.s32 $0x10;
	s26 =	simm.s32 $0x60;
	v3 =	vmov s16;
	v4 =	vmov s17  }
0x14: {  	s28 =	simm.s32 $0x20;
	s29 =	simm.s32 $0x40;
	v5 =	vmov s18;
	v7 =	vmov s26;
	v4 =	vmul.u32 $0x147B, v4  }
0x15: {  	s30 =	simm.s32 $0x50;
	v8 =	vmov s28;
	v10 =	vmov s29;
	v7 =	vmul.u32 $0x147B, v7  }
0x16: {  	v13 =	vmov s30;
	v5 =	vmul.u32 $0x147B, v5;
	v4 =	vbroadcast v4, $0x0  }
0x17: {  	v8 =	vmul.u32 $0x147B, v8;
	v7 =	vbroadcast v7, $0x0;
	v12 =	vshrl.u32 v2, $0x2;
	v2 =	vld [tilespmem:s15+$0xFFFFFFF0]  }
0x18: {  	v10 =	vmul.u32 $0x147B, v10;
	v3 =	vmul.u32 $0x147B, v3;
	v14 =	vld [tilespmem:s15+$0x20];
	v4 =	vadd.s32 v1, v4  }
0x19: {  	v13 =	vmul.u32 $0x147B, v13;
	v7 =	vadd.s32 v1, v7;
	v4 =	vshrl.u32 v4, $0x12  }
0x1a: {  	v5 =	vbroadcast v5, $0x0;
	v7 =	vshrl.u32 v7, $0x12;
	v4 =	vadd.s32 v0, v4  }
0x1b: {  	v3 =	vbroadcast v3, $0x0;
	v7 =	vadd.s32 v0, v7;
	v4 =	vmul.u32 $0xC8, v4  }
0x1c: {  	v10 =	vbroadcast v10, $0x0;
	v7 =	vmul.u32 $0xC8, v7;
	v2 =	vshrl.u32 v2, $0x2  }
0x1d: {  	s31 =	simm.s32 $0x70;
	v6 =	vld [tilespmem:s15+$0x30];
	v8 =	vbroadcast v8, $0x0;
	v4 =	vadd.s32 v4, v2;
	v2 =	vshrl.u32 v14, $0x2  }
0x1e: {  	v9 =	vld [tilespmem:s15+$0xFFFFFFD0];
	v13 =	vbroadcast v13, $0x0;
	v7 =	vadd.s32 v7, v2;
	v2 =	vmov s31  }
0x1f: {  	v11 =	vld [tilespmem:s15+$0x0];
	v5 =	vadd.s32 v1, v5;
	v10 =	vadd.s32 v1, v10;
	v2 =	vmul.u32 $0x147B, v2  }
0x20: {  	v13 =	vadd.s32 v1, v13;
	v8 =	vadd.s32 v1, v8;
	v5 =	vshrl.u32 v5, $0x12  }
0x21: {  	v10 =	vshrl.u32 v10, $0x12;
	v13 =	vshrl.u32 v13, $0x12;
	v2 =	vbroadcast v2, $0x0  }
0x22: {  	v5 =	vadd.s32 v0, v5;
	v10 =	vadd.s32 v0, v10;
	v13 =	vadd.s32 v0, v13  }
0x23: {  	v6 =	vshrl.u32 v6, $0x2;
	v9 =	vshrl.u32 v9, $0x2;
	v61 =	vadd.s32 v1, v2  }
0x24: {  	v11 =	vshrl.u32 v11, $0x2;
	v10 =	vmul.u32 $0xC8, v10;
	[tilespmem:s15+$0xFFFFFFF0] =	vst v4;
	v4 =	vld [tilespmem:s15+$0xFFFFFFE0];
	v14 =	vshrl.u32 v61, $0x12  }
0x25: {  	v5 =	vmul.u32 $0xC8, v5;
	v13 =	vmul.u32 $0xC8, v13;
	v2 =	vld [tilespmem:s15+$0xFFFFFFC0];
	v14 =	vadd.s32 v0, v14  }
0x26: {  	[tilespmem:s15+$0x20] =	vst v7;
	v7 =	vshrl.u32 v8, $0x12;
	v8 =	vadd.s32 v10, v11;
	v62 =	vmul.u32 $0xC8, v14  }
0x27: {  	v5 =	vadd.s32 v5, v9;
	v63 =	vadd.s32 v0, v7;
	[tilespmem:s15+$0x0] =	vst v8;
	v8 =	vadd.s32 v13, v12  }
0x28: {  	s16 =	simm.s32 $0xF0;
	s17 =	simm.s32 $0xC0;
	v7 =	vadd.s32 v1, v3;
	v3 =	vmul.u32 $0xC8, v63;
	[tilespmem:s15+$0x10] =	vst v8;
	v6 =	vadd.s32 v62, v6  }
.LBB2_2:
0x29: {  	s19 =	sadd.s32 $0xFFFFFF90, s16;
	v7 =	vshrl.u32 v7, $0x12  }
0x2a: {  	s20 =	sadd.s32 $0xFFFFFFA0, s16;
	s21 =	sadd.s32 $0xFFFFFFB0, s16;
	v8 =	vld [tilespmem:s17+$0x10];
	v2 =	vshrl.u32 v2, $0x2;
	v4 =	vshrl.u32 v4, $0x2;
	[tilespmem:s15+$0x30] =	vst v6;
	s18 =	smov.u32 s16;
	v6 =	vmov s19  }
0x2b: {  	v9 =	vmov s20;
	v10 =	vmov s21;
	s19 =	sadd.s32 $0xFFFFFFC0, s16;
	s20 =	sadd.s32 $0xFFFFFFD0, s16;
	s21 =	sadd.s32 $0xFFFFFFE0, s16;
	v11 =	vld [tilespmem:s17+$0x30];
	[tilespmem:s15+$0xFFFFFFD0] =	vst v5  }
0x2c: {  	p0 =	sne.s32 s16, $0x18F0;
	s16 =	sadd.s32 $0x80, s16;
	v7 =	vadd.s32 v0, v7;
	v5 =	vld [tilespmem:s17+$0xFFFFFFD0];
	v12 =	vmov s19;
	v13 =	vmov s20;
	s19 =	sadd.s32 $0xFFFFFFF0, s18  }
0x2d: {  	v7 =	vmul.u32 $0xC8, v7;
	v12 =	vmul.u32 $0x147B, v12;
	v14 =	vld [tilespmem:s17+$0x0];
	v15 =	vmov s19  }
0x2e: {  	v9 =	vmul.u32 $0x147B, v9;
	v10 =	vmul.u32 $0x147B, v10;
	v15 =	vmul.u32 $0x147B, v15  }
0x2f: {  	v2 =	vadd.s32 v7, v2;
	v12 =	vbroadcast v12, $0x0;
	v8 =	vshrl.u32 v8, $0x2;
	v16 =	vld [tilespmem:s17+$0x20]  }
0x30: {  	v3 =	vadd.s32 v3, v4;
	v17 =	vmov s21;
	v7 =	vld [tilespmem:s17+$0xFFFFFFF0];
	v15 =	vbroadcast v15, $0x0;
	[tilespmem:s15+$0xFFFFFFC0] =	vst v2  }
0x31: {  	v4 =	vbroadcast v9, $0x0;
	v2 =	vld [tilespmem:s17+$0xFFFFFFC0];
	v9 =	vadd.s32 v1, v12;
	v12 =	vmul.u32 $0x147B, v13;
	[tilespmem:s15+$0xFFFFFFE0] =	vst v3;
	s15 =	smov.u32 s17  }
0x32: {  	v3 =	vmul.u32 $0x147B, v6;
	v6 =	vshrl.u32 v9, $0x12;
	v9 =	vadd.s32 v1, v15  }
0x33: {  	v11 =	vshrl.u32 v11, $0x2;
	v6 =	vadd.s32 v0, v6;
	v9 =	vshrl.u32 v9, $0x12  }
0x34: {  	v13 =	vmul.u32 $0x147B, v17;
	v6 =	vmul.u32 $0xC8, v6;
	v9 =	vadd.s32 v0, v9  }
0x35: {  	v5 =	vshrl.u32 v5, $0x2;
	v7 =	vshrl.u32 v7, $0x2;
	v9 =	vmul.u32 $0xC8, v9  }
0x36: {  	v6 =	vadd.s32 v6, v7;
	v7 =	vshrl.u32 v14, $0x2;
	v14 =	vshrl.u32 v16, $0x2  }
0x37: {  	v3 =	vbroadcast v3, $0x0;
	[tilespmem:s17+$0xFFFFFFF0] =	vst v6;
	v6 =	vadd.s32 v9, v14;
	v9 =	vmov s18  }
0x38: {  	v4 =	vadd.s32 v1, v4;
	v12 =	vbroadcast v12, $0x0;
	[tilespmem:s17+$0x20] =	vst v6;
	v6 =	vmul.u32 $0x147B, v9  }
0x39: {  	v4 =	vshrl.u32 v4, $0x12;
	v9 =	vbroadcast v10, $0x0;
	v10 =	vbroadcast v13, $0x0  }
0x3a: {  	v4 =	vadd.s32 v0, v4;
	v12 =	vadd.s32 v1, v12;
	v6 =	vbroadcast v6, $0x0  }
0x3b: {  	v13 =	vmul.u32 $0xC8, v4;
	v4 =	vshrl.u32 v12, $0x12;
	v10 =	vadd.s32 v1, v10  }
0x3c: {  	v12 =	vadd.s32 v0, v4;
	v10 =	vshrl.u32 v10, $0x12;
	v6 =	vadd.s32 v1, v6  }
.Ltmp0:
0x3d: {  	v12 =	vmul.u32 $0xC8, v12;
	v10 =	vadd.s32 v0, v10;
	v4 =	vld [tilespmem:s17+$0xFFFFFFE0];
	v6 =	vshrl.u32 v6, $0x12;
	(pc) =	sbr.rel @p0 .LBB2_2-.Ltmp0, $4  }
0x3e: {  	v9 =	vadd.s32 v1, v9;
	v10 =	vmul.u32 $0xC8, v10;
	v6 =	vadd.s32 v0, v6  }
0x3f: {  	v9 =	vshrl.u32 v9, $0x12;
	v7 =	vadd.s32 v12, v7;
	v6 =	vmul.u32 $0xC8, v6  }
0x40: {  	v5 =	vadd.s32 v13, v5;
	v9 =	vadd.s32 v0, v9;
	v8 =	vadd.s32 v10, v8;
	[tilespmem:s17+$0x0] =	vst v7  }
0x41: {  	v7 =	vadd.s32 v1, v3;
	v3 =	vmul.u32 $0xC8, v9;
	s17 =	sadd.s32 $0x80, s17;
	[tilespmem:s15+$0x10] =	vst v8;
	v6 =	vadd.s32 v6, v11  }
0x42: {  	v7 =	vshrl.u32 v7, $0x12  }
0x43: {  	v7 =	vadd.s32 v0, v7  }
0x44: {  	v7 =	vmul.u32 $0xC8, v7  }
0x45: {  	v2 =	vshrl.u32 v2, $0x2;
	[tilespmem:s15+$0x30] =	vst v6  }
0x46: {  	v4 =	vshrl.u32 v4, $0x2;
	[tilespmem:s15+$0xFFFFFFD0] =	vst v5;
	v2 =	vadd.s32 v7, v2  }
0x47: {  	[tilespmem:s15+$0xFFFFFFC0] =	vst v2;
	v2 =	vadd.s32 v3, v4  }
0x48: {  	s16 =	simm.s32 $0x0;
	[tilespmem:s15+$0xFFFFFFE0] =	vst v2;
	s15 =	simm.s32 $0x80  }
0x49: {  	[tilespmem:s9], [sflag:$0x1] =	stream.indirect.gather [hbm4b:s3+s15], $0x40, s16, s15, $0xb8;
	[tilespmem:$0x5900] =	vst v63  }
0x4a: {  	s31 =	simm.s32 $0x0;
	_ =	swait.ge [sflag:s10], $0x2000  }
0x4b: {  	s16 =	sand.u32 $0x2000, s31;
	[sflag:s10] =	ssyncset.done $0x0  }
0x4c: {  	s17 =	sxor.u32 $0x3900, s16;
	[sflag:s10] =	ssyncadd.s32 $0xFFFFE000  }
0x4d: {  	[tilespmem:s17], [sflag:$0x1] =	stream.indirect.gather [hbm4b:s3+s11], $0x40, s15, s11, $0xb8;
	[tilespmem:$0x5900] =	vst v63  }
0x4e: {  	s16 =	sor.u32 $0x1900, s16  }
0x4f: {  	[hbm4b:s7+s2] =	stream.linear.scatter [tilespmem:s16], [sflag:$0x2], $0x2000, $0x38;
	[tilespmem:$0x5900] =	vst v63  }
0x50: {  	_ =	swait.ge [sflag:s12], $0x2000  }
0x51: {  	s17 =	smov.u32 s7;
	s16 =	simm.s32 $0x1;
	[sflag:s12] =	ssyncset.done $0x0  }
.LBB2_4:
0x52: {  	[sflag:s12] =	ssyncadd.s32 $0xFFFFE000;
	s17 =	sadd.s32 $0x400, s17;
	s15 =	sadd.s32 $0x80, s15  }
0x53: {  	p0 =	sne.s32 s16, $0x30;
	s18 =	smov.u32 s16;
	s16 =	sadd.s32 $0x1, s16  }
0x54: {  	s18 =	sshll.u32 s18, $0xD;
	_ =	swait.ge [sflag:s10], $0x2000  }
0x55: {  	s18 =	sand.u32 $0x2000, s18;
	[sflag:s10] =	ssyncset.done $0x0  }
0x56: {  	s19 =	sxor.u32 $0x3900, s18;
	[sflag:s10] =	ssyncadd.s32 $0xFFFFE000  }
0x57: {  	[tilespmem:s19], [sflag:$0x1] =	stream.indirect.gather [hbm4b:s3+s11], $0x40, s15, s11, $0xb8;
	[tilespmem:$0x5900] =	vst v63  }
.Ltmp1:
0x58: {  	_ = 	snop;
	(pc) =	sbr.rel @p0 .LBB2_4-.Ltmp1, $4  }
0x59: {  	s18 =	sor.u32 $0x1900, s18  }
0x5a: {  	[hbm4b:s17+s2] =	stream.linear.scatter [tilespmem:s18], [sflag:$0x2], $0x2000, $0x38;
	[tilespmem:$0x5900] =	vst v63  }
0x5b: {  	_ =	swait.ge [sflag:s12], $0x2000  }
0x5c: {  	[sflag:s12] =	ssyncset.done $0x0  }
0x5d: {  	[sflag:s12] =	ssyncadd.s32 $0xFFFFE000  }
0x5e: {  	s14 =	sadd.s32 $0x1, s14;
	_ =	swait.ge [sflag:s10], $0x2000  }
0x5f: {  	p0 =	sne.s32 s14, s5;
	[sflag:s10] =	ssyncset.done $0x0  }
.Ltmp2:
0x60: {  	[sflag:s10] =	ssyncadd.s32 $0xFFFFE000;
	(pc) =	sbr.rel @p0 .LBB2_1-.Ltmp2, $4  }
0x61: {  	[hbm4b:s6+s2] =	stream.linear.scatter [tilespmem:s13], [sflag:$0x2], $0x2000, $0x38;
	[tilespmem:$0x5900] =	vst v63  }
0x62: {  	_ =	swait.ge [sflag:s12], $0x2000  }
0x63: {  	[sflag:s12] =	ssyncset.done $0x0  }
0x64: {  	[sflag:s12] =	ssyncadd.s32 $0xFFFFE000  }
0x65: {  	_ =	sfence.sel $0x180000  }
0x66: {  	[bflag:$0x0] =	sbarrier.arrive $0xFFFF  }
0x67: {  	p0 =	sne.s32 s0, $0x0;
	_ =	strace $0x90000047  }
0x68: {  	s0 =	sadd.s32 @!p0 $0x100000, s1;
	[bflag:$0x2] =	sbarrier.arrive $0xFFFF  }
0x69: {  	[sflag:s0] =	ssyncadd.tile.s32 @!p0 $0x1;
	_ =	shalt  }
.Lfunc_end2:
_tile_overlayer_lowered:
.L_overlay_start_2:
0x6a: {  	(tag) =	ssettag $0x2  }
0x6b: {  	s0 =	rddreg [dreg:$0x0];
	s2 =	stileid.u32  }
0x6c: {  	s1 =	rddreg [dreg:$0x1];
	p0 =	sne.s32 s2, $0x0  }
0x6d: {  	s3 =	rddreg [dreg:$0x2];
	[bflag:$0x3] =	sbarrier.arrive $0xFFFF;
	s2 =	simm.s32 @!p0 $0x1C03  }
0x6e: {  	[timem:s3], [sflag:s2] =	dma.local @!p0 [hbm:s0], s1  }
0x6f: {  	s0 =	simm.s32 @!p0 $0x3  }
0x70: {  	_ =	swait.ge @!p0 [sflag:s0], s1  }
0x71: {  	s1 =	ssub.s32 @!p0 $0x0, s1;
	[sflag:s0] =	ssyncset.done @!p0 $0x0  }
0x72: {  	[sflag:s0] =	ssyncadd.s32 @!p0 s1  }
0x73: {  	[bflag:$0x3] =	sbarrier.arrive $0xFFFF  }
0x74: {  	_ =	shalt  }

// kernel: sparse-core-data-format-call.cloned.1.call-start
scs
called_computation_lowered:
.L_overlay_start_0:
0x0: {  	s2 =	sld [smem:$0x3FD9]  }
0x1: {  	s3 =	sld [smem:$0x3FFE];
	_ =	sdelay $0x1  }
0x2: {  	s1 =	srdreg.scid  }
0x3: {  	s0 =	sand.u32 $0x1, s1  }
0x4: {  	s18 =	sshll.u32 s0, $0xA;
	s2 =	sadd.s32 s3, s2  }
0x5: {  	s2 =	sadd.s32 s2, s18  }
0x6: {  	[smem:$0x3FC6] =	sst s2  }
0x7: {  	_ = 	snop  }
0x8: {  	s2 =	sld [smem:$0x3FD0];
	(tm) =	ssettm $0x1  }
0x9: {  	s19 =	sld [smem:$0x3FFB];
	_ =	sdelay $0x3  }
0xa: {  	_ =	strace s19  }
0xb: {  	s3 =	sld [smem:$0x3FFC];
	_ =	sdelay $0x3  }
0xc: {  	_ =	strace s3  }
0xd: {  	s3 =	sld [smem:$0x3FFD];
	_ =	sdelay $0x3  }
0xe: {  	_ =	strace s3  }
0xf: {  	_ =	strace $0x8FFFFFFF  }
0x10: {  	s20 =	sld [smem:$0x3FDB];
	_ =	sdelay $0x1  }
0x11: {  	s4 =	simm.s32 $_scs_section_size  }
0x12: {  	s5 =	simm.s32 $_size__tile_overlayer_lowered;
	s6 =	simm.s32 $_tile_overlayer_lowered  }
0x13: {  	s23 =	simm.s32 $0x1BFF;
	s22 =	sshll.u32 s6, $0x1;
	s3 =	sadd.s32 s4, s20  }
0x14: {  	s7 =	simm.s32 $0x0;
	s21 =	sshll.u32 s5, $0x1;
	s5 =	sadd.s32 s22, s3  }
0x15: {  	[timem:s7], [sflag:s23] =	dma.local [hbm:s5], s21  }
0x16: {  	_ =	swait.ge [sflag:s23], s21  }
0x17: {  	s4 =	ssub.s32 $0x0, s21;
	[sflag:s23] =	ssyncset.done $0x0  }
0x18: {  	[sflag:s23] =	ssyncadd.s32 s4;
	_ =	sdelay $0x1  }
0x19: {  	s24 =	simm.s32 $0x1B8B  }
0x1a: {  	_ =	swait.ge [sflag:s24], $0x1  }
0x1b: {  	[sflag:s24] =	ssyncset.done $0x0  }
0x1c: {  	s26 =	simm.s32 $0x1B8E;
	s25 =	sld [smem:$0x3FFE];
	[sflag:s24] =	ssyncadd.s32 $0xFFFFFFFF  }
0x1d: {  	s27 =	simm.s32 $execute0_lowered;
	[smem:$0x3FD2] =	sst s26  }
0x1e: {  	s5 =	sshll.u32 s27, $0x1;
	_ =	strace $0x80000049;
	[dreg:$0x1] =	wrdreg $0xFFFFFFFF  }
0x1f: {  	s28 =	simm.s32 $_size_execute0_lowered;
	s3 =	sadd.s32 s3, s5;
	[dreg:$0x0] =	wrdreg $0x0  }
0x20: {  	s5 =	sshll.u32 s28, $0x1;
	[dreg:$0x2] =	wrdreg s3  }
0x21: {  	[dreg:$0x3] =	wrdreg s5  }
0x22: {  	[dreg:$0x4] =	wrdreg $0xC0  }
0x23: {  	_ =	task [dreg:s7], $0x5FFFF  }
0x24: {  	[dreg:$0x1] =	wrdreg $0xFFFFFFFF  }
0x25: {  	[dreg:$0x0] =	wrdreg $0x60  }
0x26: {  	[dreg:$0x2] =	wrdreg s25  }
0x27: {  	[dreg:$0x3] =	wrdreg s2  }
0x28: {  	[dreg:$0x4] =	wrdreg $0x9  }
0x29: {  	_ =	task.clear_ibuf [dreg:s7], $0x5FFFF;
	_ =	strace $0x90000049  }
0x2a: {  	s29 =	simm.s32 $0x9;
	_ =	strace $0x8000004B  }
0x2b: {  	_ =	swait.ge [sflag:s29], $0x1  }
0x2c: {  	[sflag:s29] =	ssyncadd.s32 $0xFFFFFFFF  }
0x2d: {  	_ =	strace $0x9000004B  }
0x2e: {  	_ =	sfence  }
0x2f: {  	s30 =	sld [smem:$0x0];
	_ =	sdelay $0x2  }
0x30: {  	s31 =	sshll.u32 s1, $0xD;
	s1 =	sshrl.u32 s1, $0x2  }
0x31: {  	s3 =	sand.u32 $0x4000, s31;
	s1 =	sadd.s32 s1, s30  }
0x32: {  	s0 =	sor.u32 s3, s0;
	s1 =	sshll.u32 s1, $0x11  }
0x33: {  	s0 =	sor.u32 s1, s0  }
0x34: {  	s0 =	sadd.s32 $0x8F2B, s0  }
0x35: {  	[sflag:s0] =	ssyncadd.remote.s32 $0x1  }
0x36: {  	_ =	sfence.sel $0xFFFF  }
0x37: {  	[dreg:$0x0] =	wrdreg $0xFFFFFFFF;
	(pc) =	sbr.abs _section_cstart, $3  }
0x38: {  	[dreg:$0x1] =	wrdreg $0xFFFFFFFF  }
0x39: {  	_ =	task.clear_ibuf [dreg:s7], $0x2FFFF;
	_ =	strace $0x9FFFFFFF  }
0x3a: {  	(tm) =	ssettm $0x7FFFFFFF  }
0x3b: {  	_ =	shalt  }
tec
execute0_lowered:
.L_overlay_start_1:
0x0: {  	(tag) =	ssettag $0x1  }
0x1: {  	s0 =	srdreg.scid  }
0x2: {  	s1 =	sshll.u32 s0, $0x4  }
0x3: {  	s0 =	stileid.u32;
	s1 =	sand.u32 $0x10, s1  }
0x4: {  	s1 =	sor.u32 s0, s1  }
0x5: {  	s6 =	rddreg [dreg:$0x0];
	s4 =	simm.s32 $0x1;
	s2 =	sshll.u32 s1, $0x7  }
0x6: {  	s7 =	simm.s32 $0x2;
	s12 =	simm.s32 $0x0;
	s1 =	ssub.s32 $0x1000, s2  }
0x7: {  	s8 =	simm.s32 $0x8000;
	s13 =	simm.s32 $0x0;
	s3 =	sand.u32 $0xF80, s1  }
0x8: {  	s9 =	simm.s32 $0x0;
	s5 =	sshrl.u32 s1, $0xC;
	p0 =	sne.s32 s3, $0x0  }
.Ltmp0:
0x9: {  	s1 =	rddreg [dreg:$0x2];
	s4 =	simm.s32 @!p0 $0x0;
	(pc) =	sbr.rel .LBB1_1-.Ltmp0, $4  }
0xa: {  	s11 =	simm.s32 $0x0;
	s3 =	rddreg [dreg:$0x1];
	s5 =	sadd.s32 s4, s5  }
0xb: {  	_ =	strace $0x8000004A;
	s4 =	simm.s32 $0x1;
	s5 =	smul.u32 $0x32, s5  }
0xc: {  	s6 =	sadd.s32 $0xA00, s6;
	s10 =	smov.u32 s2;
	[sflag:s4] =	ssyncpa.u1 $0x0  }
0xd: {  	p0 =	por $0x0, $0x0;
	[sflag:s7] =	ssyncpa.u1 $0x0;
	s7 =	sor.u32 $0x1, s5  }
.LBB1_4:
0xe: {  	s16 =	sshll.u32 s13, $0x3;
	s17 =	sand.u32 $0x78, s13  }
0xf: {  	s30 =	sand.u32 $0x7E00, s13;
	s12 =	sshll.u32 s12, $0xF;
	s16 =	sand.u32 $0xC00, s16  }
0x10: {  	[tilespmem:s15+$0x810 ss:$0x81] =	vst.msk $0xffff, v2;
	s31 =	sand.u32 $0x7, s13;
	s16 =	sor.u32 s17, s16;
	s17 =	sadd.s32 s3, s30  }
0x11: {  	[tilespmem:s15+$0x1020 ss:$0x81] =	vst.msk $0xffff, v0;
	s13 =	sshll.u32 s31, $0x12;
	s12 =	sadd.s32 s12, s17;
	s16 =	sshrl.u32 s16, $0x3  }
0x12: {  	[tilespmem:s15+$0x0 ss:$0x81] =	vst.msk $0xffff, v1;
	s13 =	sor.u32 $0x400, s13;
	s12 =	sadd.s32 s16, s12  }
0x13: {  	[hbm4b:s12+s13] =	stream.strided.scatter [tilespmem:s14], [sflag:$0x2], $0x2000, s8, s13, $0x20;
	[tilespmem:$0x8080] =	vst v63  }
.LBB1_5:
0x14: {  	s14 =	sadd.s32 $0x1, s9  }
0x15: {  	s12 =	sadd.s32 $0x1000, s10;
	s16 =	smov.u32 s10;
	p2 =	sgt.s32 s14, $0x31  }
0x16: {  	s16 =	smov.u32 @p2 s12  }
0x17: {  	s14 =	simm.s32 @p2 $0x0;
	p2 =	sgt.s32 s16, $0xFFF  }
0x18: {  	s16 =	smov.u32 @p2 s2;
	p2 =	sne.s32 s11, s7  }
.Ltmp1:
0x19: {  	p1 =	slt.u32 s11, $0x2;
	(pc) =	sbr.rel @!p2 .LBB1_6-.Ltmp1, $4  }
0x1a: {  	s15 =	simm.s32 @!p1 $0x2  }
0x1b: {  	s13 =	smov.u32 s10;
	p0 =	por !p0, !p0;
	_ =	swait.ge @!p1 [sflag:s15], $0x2000  }
0x1c: {  	s12 =	smov.u32 s9;
	[sflag:s15] =	ssyncset.done @!p1 $0x0;
	s9 =	smov.u32 s14  }
0x1d: {  	s11 =	sadd.s32 $0x1, s11;
	[sflag:s15] =	ssyncadd.s32 @!p1 $0xFFFFE000;
	s10 =	smov.u32 s16  }
.LBB1_1:
0x1e: {  	p1 =	sge.u32 s11, s5  }
0x1f: {  	s14 =	sand.u32 @!p1 $0x1FFFFFF, s9  }
0x20: {  	s15 =	smulhi.u32 @!p1 $0x4924925, s14;
	_ =	sdelay $0x1  }
0x21: {  	s15 =	smul.u32 @!p1 $0x38, s15  }
0x22: {  	s16 =	sxor.u32 @!p1 $0xFFFFFFFF, s11;
	s17 =	smul.u32 @!p1 $0x380, s10  }
0x23: {  	s31 =	sadd.s32 $0xFFFFFFFF, s11;
	s16 =	sshll.u32 @!p1 s16, $0xD;
	s14 =	ssub.s32 @!p1 s14, s15  }
0x24: {  	s15 =	sand.u32 @!p1 $0x2000, s16;
	s16 =	sadd.s32 @!p1 s6, s17;
	s14 =	sshll.u32 @!p1 s14, $0x4  }
0x25: {  	s17 =	simm.s32 @!p1 $0x1C00;
	s14 =	sadd.s32 @!p1 s14, s16;
	s16 =	simm.s32 @!p1 $0x40  }
0x26: {  	[tilespmem:s15], [sflag:$0x1] =	stream.strided.gather @!p1 [hbm4b:s14+s16], $0x2000, s17, s16, $0x38;
	[tilespmem:$0x8080] =	vst v63  }
0x27: {  	p1 =	sge.u32 s31, s5  }
.Ltmp2:
0x28: {  	_ = 	snop;
	(pc) =	sbr.rel @p1 .LBB1_5-.Ltmp2, $1  }
0x29: {  	_ =	sdelay $0x3  }
0x2a: {  	s14 =	simm.s32 $0x1  }
0x2b: {  	_ =	swait.ge [sflag:s4], $0x2000;
	s14 =	simm.s32 @!p0 $0x0  }
0x2c: {  	[sflag:s4] =	ssyncset.done $0x0;
	s15 =	sshll.u32 s14, $0xD  }
0x2d: {  	[sflag:s4] =	ssyncadd.s32 $0xFFFFE000;
	s18 =	sor.u32 $0x20, s15  }
0x2e: {  	s14 =	smul.u32 $0x8100, s14;
	v3 =	vld [tilespmem:s18+$0x10]  }
0x2f: {  	s30 =	sand.u32 $0x1, s11;
	v2 =	vld [tilespmem:s18+$0xFFFFFFF0]  }
0x30: {  	s15 =	smul.u32 $0x8100, s30;
	s14 =	sshrl.u32 s14, $0x2;
	v0 =	vld [tilespmem:s18+$0x0]  }
0x31: {  	v1 =	vld [tilespmem:s18+$0xFFFFFFE0];
	s16 =	sor.u32 $0x4000, s14  }
0x32: {  	s31 =	sshrl.u32 s15, $0x2;
	s15 =	sadd.s32 $0x0, s16  }
0x33: {  	s17 =	simm.s32 $0x4;
	s18 =	sadd.s32 $0x40, s18;
	s14 =	sor.u32 $0x4000, s31;
	[tilespmem:s15+$0x1830 ss:$0x81] =	vst.msk $0xffff, v3  }
.LBB1_3:
0x34: {  	v3 =	vld [tilespmem:s18+$0x10];
	p1 =	sne.s32 s17, $0x1FC;
	[tilespmem:s15+$0x810 ss:$0x81] =	vst.msk $0xffff, v2;
	s19 =	smov.u32 s17;
	s17 =	sadd.s32 $0x4, s17  }
.Ltmp3:
0x35: {  	v2 =	vld [tilespmem:s18+$0xFFFFFFF0];
	[tilespmem:s15+$0x1020 ss:$0x81] =	vst.msk $0xffff, v0;
	(pc) =	sbr.rel @p1 .LBB1_3-.Ltmp3, $4  }
0x36: {  	v0 =	vld [tilespmem:s18+$0x0];
	[tilespmem:s15+$0x0 ss:$0x81] =	vst.msk $0xffff, v1  }
0x37: {  	s15 =	sshra.s32 s19, $0x2;
	v1 =	vld [tilespmem:s18+$0xFFFFFFE0]  }
0x38: {  	s15 =	sadd.s32 s15, s16  }
0x39: {  	s18 =	sadd.s32 $0x40, s18;
	[tilespmem:s15+$0x1830 ss:$0x81] =	vst.msk $0xffff, v3  }
.Ltmp4:
0x3a: {  	_ = 	snop;
	(pc) =	sbr.rel .LBB1_4-.Ltmp4, $1  }
0x3b: {  	_ =	sdelay $0x3  }
.LBB1_6:
0x3c: {  	_ =	sfence.sel $0x180000  }
0x3d: {  	s2 =	simm.s32 $0x1;
	[bflag:$0x0] =	sbarrier.arrive $0xFFFF  }
0x3e: {  	s31 =	simm.s32 $0x2;
	[sflag:s2] =	ssyncpa.u1 $0x1  }
0x3f: {  	[sflag:s31] =	ssyncpa.u1 $0x1  }
0x40: {  	p0 =	sne.s32 s0, $0x0;
	_ =	strace $0x9000004A  }
0x41: {  	s0 =	sadd.s32 @!p0 $0x100000, s1;
	[bflag:$0x2] =	sbarrier.arrive $0xFFFF  }
0x42: {  	[sflag:s0] =	ssyncadd.tile.s32 @!p0 $0x1;
	_ =	shalt  }
.Lfunc_end1:
_tile_overlayer_lowered:
.L_overlay_start_2:
0x43: {  	(tag) =	ssettag $0x2  }
0x44: {  	s0 =	rddreg [dreg:$0x0];
	s2 =	stileid.u32  }
0x45: {  	s1 =	rddreg [dreg:$0x1];
	p0 =	sne.s32 s2, $0x0  }
0x46: {  	s3 =	rddreg [dreg:$0x2];
	[bflag:$0x3] =	sbarrier.arrive $0xFFFF;
	s2 =	simm.s32 @!p0 $0x1C01  }
0x47: {  	[timem:s3], [sflag:s2] =	dma.local @!p0 [hbm:s0], s1  }
0x48: {  	s0 =	simm.s32 @!p0 $0x1  }
0x49: {  	_ =	swait.ge @!p0 [sflag:s0], s1  }
0x4a: {  	s1 =	ssub.s32 @!p0 $0x0, s1;
	[sflag:s0] =	ssyncset.done @!p0 $0x0  }
0x4b: {  	[sflag:s0] =	ssyncadd.s32 @!p0 s1  }
0x4c: {  	[bflag:$0x3] =	sbarrier.arrive $0xFFFF  }
0x4d: {  	_ =	shalt  }

</sc_bundles>
